<compile_context>
chip_gen: v7x
topology: tpu7x:2x2x1
jax: 0.10.2.dev20260603
libtpu: 0.0.44.dev20260713+nightly
codegen_flags: <defaults>
</compile_context>

<pallas_src>
import jax
import jax.numpy as jnp
from jax import lax
from jax.experimental import pallas as pl
from jax.experimental.pallas import tpu as pltpu
from jax.experimental.pallas import tpu_sc as plsc

N_NODES = 50000
N_PAD = 50048
N_EDGES = 800000
DIM = 64
HALF = 32
NC = 2
NS = 16
CHUNK = 128
KCH = 2
BLK = KCH * CHUNK
NBT = N_EDGES // BLK
E_PAD = NBT * BLK
BASE = NBT // NS
REM = NBT % NS
MAXI = BASE + (1 if REM else 0)
NSE = 4
NSR = 3
UNROLL = 12
STRIPE = N_PAD // NS


def _layer_body(ei_hbm, w_hbm, h_hbm, out_hbm, *refs):
    cbufs = refs[0:NSE]
    dbufs = refs[NSE:2 * NSE]
    wbufs = refs[2 * NSE:3 * NSE]
    rbufs = tuple(tuple(refs[3 * NSE + u * KCH + k] for k in range(KCH))
                  for u in range(NSR))
    acc_sh, semA, semG, semS = refs[3 * NSE + NSR * KCH:]
    c = lax.axis_index("c")
    s = lax.axis_index("s")
    n_mine = BASE + (s < REM).astype(jnp.int32)

    def blk_id(j):
        return s + j * NS

    def linear_trio(j, u):
        b = blk_id(j)
        return (pltpu.make_async_copy(ei_hbm.at[1].at[b], cbufs[u], semA.at[u]),
                pltpu.make_async_copy(ei_hbm.at[0].at[b], dbufs[u], semA.at[u]),
                pltpu.make_async_copy(w_hbm.at[pl.ds(b * BLK, BLK)], wbufs[u],
                                      semA.at[u]))

    def gather_desc(ue, ur, k):
        return pltpu.make_async_copy(h_hbm.at[c].at[cbufs[ue].at[k]], rbufs[ur][k],
                                     semG.at[ur])

    def scatter_desc(ue, ur, k):
        return pltpu.make_async_copy(rbufs[ur][k], acc_sh.at[dbufs[ue].at[k]],
                                     semS.at[ur])

    def A(j, u):
        for d in linear_trio(j, u):
            d.start()

    def M(j, ue, ur):
        for d in linear_trio(j, ue):
            d.wait()
        for k in range(KCH):
            gather_desc(ue, ur, k).start()

    def F(ue, ur):
        wbuf = wbufs[ue]
        for k in range(KCH):
            gather_desc(ue, ur, k).wait()
            rows = rbufs[ur][k]

            def multq(q, _, k=k, rows=rows):
                rr = q * 16
                wv = wbuf[pl.ds(k * CHUNK + rr, 16)]
                for jj in range(16):
                    w = wv[jj]
                    rows[rr + jj, pl.ds(0, 16)] = rows[rr + jj, pl.ds(0, 16)] * w
                    rows[rr + jj, pl.ds(16, 16)] = rows[rr + jj, pl.ds(16, 16)] * w
                return 0
            lax.fori_loop(0, 8, multq, 0)
            scatter_desc(ue, ur, k).start(add=True)

    def D(ue, ur):
        for k in range(KCH):
            scatter_desc(ue, ur, k).wait()

    for j in range(3):
        A(jnp.int32(j), j)
    M(jnp.int32(0), 0, 0)
    M(jnp.int32(1), 1, 1)

    zeros16 = jnp.zeros((16,), jnp.float32)

    zref = rbufs[2][0]

    def zfill(jj, _):
        zref[jj, pl.ds(0, 16)] = zeros16
        zref[jj, pl.ds(16, 16)] = zeros16
        return 0
    lax.fori_loop(0, CHUNK, zfill, 0)

    zbase = s * STRIPE
    ZN = STRIPE // CHUNK

    def zdesc(m):
        return pltpu.make_async_copy(zref, acc_sh.at[pl.ds(zbase + m * CHUNK, CHUNK)],
                                     semS.at[0])

    ztail = pltpu.make_async_copy(
        zref.at[pl.ds(0, STRIPE % CHUNK)],
        acc_sh.at[pl.ds(zbase + ZN * CHUNK, STRIPE % CHUNK)], semS.at[0])

    def zacc(m, _):
        zdesc(m).start()
        return 0
    lax.fori_loop(0, ZN, zacc, 0)
    ztail.start()

    def zwait(m, _):
        zdesc(m).wait()
        return 0
    lax.fori_loop(0, ZN, zwait, 0)
    ztail.wait()
    plsc.subcore_barrier()

    NSTEP = -(-(MAXI + 1) // UNROLL)

    def step(t, _):
        for u in range(UNROLL):
            i = t * UNROLL + u

            @pl.when(i < n_mine)
            def _(u=u):
                F(u % NSE, u % NSR)

            @pl.when(jnp.logical_and(i >= 1, i - 1 < n_mine))
            def _(u=u):
                D((u - 1) % NSE, (u - 1) % NSR)

            @pl.when(i + 2 < n_mine)
            def _(i=i, u=u):
                M(i + 2, (u + 2) % NSE, (u + 2) % NSR)

            @pl.when(i + 3 < n_mine)
            def _(i=i, u=u):
                A(i + 3, (u + 3) % NSE)
        return 0
    lax.fori_loop(0, NSTEP, step, 0)

    plsc.subcore_barrier()
    pltpu.sync_copy(acc_sh.at[pl.ds(s * STRIPE, STRIPE)],
                    out_hbm.at[c].at[pl.ds(s * STRIPE, STRIPE)])


@jax.jit
def _layer(ei, w, h):
    return pl.kernel(
        _layer_body,
        out_type=jax.ShapeDtypeStruct((NC, N_PAD, HALF), jnp.float32),
        mesh=plsc.VectorSubcoreMesh(core_axis_name="c", subcore_axis_name="s"),
        scratch_types=(
            [pltpu.VMEM((KCH, CHUNK), jnp.int32) for _ in range(NSE)]
            + [pltpu.VMEM((KCH, CHUNK), jnp.int32) for _ in range(NSE)]
            + [pltpu.VMEM((BLK,), jnp.float32) for _ in range(NSE)]
            + [pltpu.VMEM((CHUNK, HALF), jnp.float32) for _ in range(NSR * KCH)]
            + [
                pltpu.VMEM_SHARED((N_PAD, HALF), jnp.float32),
                pltpu.SemaphoreType.DMA((NSE,)),
                pltpu.SemaphoreType.DMA((NSR,)),
                pltpu.SemaphoreType.DMA((NSR,)),
            ]
        ),
        compiler_params=pltpu.CompilerParams(use_tc_tiling_on_sc=False),
    )(ei, w, h)


USER_N = 10000


def _split_body(user_hbm, item_hbm, h0_hbm, b0, b1, bx, sem):
    c = lax.axis_index("c")
    s = lax.axis_index("s")
    bufs = (b0, b1)
    zbase = s * STRIPE

    def start_of(m):
        return jnp.minimum(zbase + m * CHUNK, N_NODES - CHUNK)

    def descs(m, u):
        start = start_of(m)
        si = jnp.minimum(jnp.maximum(start, USER_N), N_NODES - CHUNK)
        return (
            start + CHUNK <= USER_N,
            pltpu.make_async_copy(user_hbm.at[pl.ds(start, CHUNK)], bufs[u],
                                  sem.at[u]),
            pltpu.make_async_copy(item_hbm.at[pl.ds(si - USER_N, CHUNK)], bufs[u],
                                  sem.at[u]),
            si,
        )

    def issue(m, u):
        is_user, du, di, _ = descs(m, u)

        @pl.when(is_user)
        def _():
            du.start()

        @pl.when(jnp.logical_not(is_user))
        def _():
            di.start()

    NCH = STRIPE // CHUNK + 1
    issue(jnp.int32(0), 0)

    def step(t, _):
        for u in range(2):
            m = t * 2 + u

            @pl.when(m < NCH)
            def _(m=m, u=u):
                @pl.when(m + 1 < NCH)
                def _():
                    issue(m + 1, 1 - u)
                is_user, du, _, si = descs(m, u)
                du.wait()
                start = start_of(m)
                wstart = jnp.where(is_user, start, si)
                pltpu.sync_copy(bufs[u].at[:, pl.ds(c * HALF, HALF)],
                                h0_hbm.at[c].at[pl.ds(wstart, CHUNK)])
                straddle = jnp.logical_and(start < USER_N, start + CHUNK > USER_N)

                @pl.when(straddle)
                def _():
                    pltpu.sync_copy(user_hbm.at[pl.ds(USER_N - CHUNK, CHUNK)], bx)
                    pltpu.sync_copy(bx.at[:, pl.ds(c * HALF, HALF)],
                                    h0_hbm.at[c].at[pl.ds(USER_N - CHUNK, CHUNK)])
        return 0
    lax.fori_loop(0, (NCH + 1) // 2, step, 0)


@jax.jit
def _split(user_emb, item_emb):
    return pl.kernel(
        _split_body,
        out_type=jax.ShapeDtypeStruct((NC, N_PAD, HALF), jnp.float32),
        mesh=plsc.VectorSubcoreMesh(core_axis_name="c", subcore_axis_name="s"),
        scratch_types=[
            pltpu.VMEM((CHUNK, DIM), jnp.float32),
            pltpu.VMEM((CHUNK, DIM), jnp.float32),
            pltpu.VMEM((CHUNK, DIM), jnp.float32),
            pltpu.SemaphoreType.DMA((2,)),
        ],
        compiler_params=pltpu.CompilerParams(use_tc_tiling_on_sc=False),
    )(user_emb, item_emb)


QROWS = N_NODES // 4
CB = 544


def _combine_body(a, b, e, o):
    x0 = (a[0] + b[0] + e[0]) * (1.0 / 3.0)
    x1 = (a[1] + b[1] + e[1]) * (1.0 / 3.0)
    o[:, 0, :] = jnp.concatenate(
        [x0[:, 0:32], x1[:, 0:32], x0[:, 32:64], x1[:, 32:64]], axis=1)
    o[:, 1, :] = jnp.concatenate(
        [x0[:, 64:96], x1[:, 64:96], x0[:, 96:128], x1[:, 96:128]], axis=1)


@jax.jit
def _combine(h0, h1, h2):
    spec = pl.BlockSpec((2, CB, 128), lambda i: (0, i, 0))
    out = pl.pallas_call(
        _combine_body,
        out_shape=jax.ShapeDtypeStruct((QROWS, 2, 128), jnp.float32),
        grid=(-(-QROWS // CB),),
        in_specs=[spec, spec, spec],
        out_specs=pl.BlockSpec((CB, 2, 128), lambda i: (i, 0, 0)),
    )(h0.reshape(NC, N_PAD // 4, 128), h1.reshape(NC, N_PAD // 4, 128),
      h2.reshape(NC, N_PAD // 4, 128))
    return out.reshape(N_NODES, DIM)


def kernel(edge_index, edge_weight, user_emb, item_emb):
    ei = edge_index.astype(jnp.int32).reshape(2, NBT, KCH, CHUNK)

    h0 = _split(user_emb, item_emb)
    h1 = _layer(ei, edge_weight, h0)
    h2 = _layer(ei, edge_weight, h1)
    return _combine(h0, h1, h2)

# --- scband reference (transcript-rebuilt; emitter-appended) ---
"""Pipeline reference for scband-light-gcn-48344151883810 (READ-ONLY COPY).

The authoritative reference and input builder live on the scoring server;
editing this copy changes nothing except your own understanding.
"""

import jax, jax.numpy as jnp
import numpy as np

NUM_USERS = 10000
NUM_ITEMS = 40000
N = NUM_USERS + NUM_ITEMS
E = 800000
EMB_DIM = 64
N_LAYERS = 2


def setup_inputs(seed: int = 0) -> dict:
    key = jax.random.key(seed)
    k1, k2, k3, k4 = jax.random.split(key, 4)
    edge_index = jax.random.randint(k1, (2, E), 0, N, dtype=jnp.int64)
    edge_weight = jax.random.uniform(k2, (E,), dtype=jnp.float32)
    # xavier_uniform-style init for embedding tables
    bound_u = float(np.sqrt(6.0 / (NUM_USERS + EMB_DIM)))
    bound_i = float(np.sqrt(6.0 / (NUM_ITEMS + EMB_DIM)))
    user_emb = jax.random.uniform(k3, (NUM_USERS, EMB_DIM), dtype=jnp.float32, minval=-bound_u, maxval=bound_u)
    item_emb = jax.random.uniform(k4, (NUM_ITEMS, EMB_DIM), dtype=jnp.float32, minval=-bound_i, maxval=bound_i)
    return {"edge_index": edge_index, "edge_weight": edge_weight, "user_emb": user_emb, "item_emb": item_emb}


def reference(edge_index, edge_weight, user_emb, item_emb):
    # LightGCN.propagate: emb = cat(user, item); h <- adj_norm @ h for n_layers; mean over layer outputs
    emb = jnp.concatenate([user_emb, item_emb], axis=0)
    row = edge_index[0]  # destination (output row of sparse mm)
    col = edge_index[1]  # source (column / gathered node)
    embs = [emb]
    h = emb
    for _ in range(N_LAYERS):
        msgs = edge_weight[:, None] * jnp.take(h, col, axis=0)
        h = jax.ops.segment_sum(msgs, row, num_segments=N)
        embs.append(h)
    out = jnp.mean(jnp.stack(embs, axis=0), axis=0)
    return out

if __name__ == "__main__":
    import jax
    _d = setup_inputs()
    print(jax.jit(kernel)(*tuple(_d.values())))

</pallas_src>

<mosaic_0001>
#map = affine_map<(d0, d1) -> (0, 0)>
#map1 = affine_map<(d0, d1) -> (0, 0, 0)>
module attributes {stable_mosaic.version = 14 : i64} {
  func.func @_split_body(%arg0: i32, %arg1: i32, %arg2: memref<10000x64xf32, #tpu.memory_space<hbm>>, %arg3: memref<40000x64xf32, #tpu.memory_space<hbm>>, %arg4: memref<2x50048x32xf32, #tpu.memory_space<hbm>>, %arg5: memref<128x64xf32, #tpu.memory_space<vmem>>, %arg6: memref<128x64xf32, #tpu.memory_space<vmem>>, %arg7: memref<128x64xf32, #tpu.memory_space<vmem>>, %arg8: memref<2x!tpu.dma_semaphore, #tpu.memory_space<semaphore_mem>>) attributes {dimension_semantics = [#tpu.dimension_semantics<core_parallel>, #tpu.dimension_semantics<subcore_parallel>], iteration_bounds = array<i64: 2, 16>, scalar_prefetch = 0 : i64, scratch_operands = 4 : i64, tpu.core_type = #tpu.core_type<sc_vector_subcore>, window_params = [{transform_indices = #map}, {transform_indices = #map}, {transform_indices = #map1}]} {
    %mul3A = arith.constant 3128 : i32
    %mul3A_0 = arith.muli %arg1, %mul3A : i32
    %mul3A_1 = arith.constant 0 : i32
    %mul3A_2 = arith.constant 128 : i32
    %mul3A_3 = arith.muli %mul3A_1, %mul3A_2 : i32
    %add3A = arith.addi %mul3A_0, %mul3A_3 : i32
    %min3A = arith.constant 49872 : i32
    %min3A_4 = arith.minsi %add3A, %min3A : i32
    %max3A = arith.constant 10000 : i32
    %max3A_5 = arith.maxsi %min3A_4, %max3A : i32
    %min3A_6 = arith.constant 49872 : i32
    %min3A_7 = arith.minsi %max3A_5, %min3A_6 : i32
    %add3A_8 = arith.constant 128 : i32
    %add3A_9 = arith.addi %min3A_4, %add3A_8 : i32
    %le3A = arith.constant 10000 : i32
    %le3A_10 = arith.cmpi sle, %add3A_9, %le3A : i32
    %sub3A = arith.constant 10000 : i32
    %sub3A_11 = arith.subi %min3A_7, %sub3A : i32
    %convert_element_type3A = arith.extui %le3A_10 : i1 to i32
    %cond3A = arith.constant 0 : i32
    %cond3A_12 = arith.constant 0 : i32
    %cond3A_13 = arith.cmpi ne, %convert_element_type3A, %cond3A_12 : i32
    scf.if %cond3A_13 {
      %dma_start3A = arith.constant 0 : i32
      %dma_start3A_25 = tpu.memref_slice %arg2[%min3A_4, %dma_start3A] : memref<10000x64xf32, #tpu.memory_space<hbm>> -> memref<128x64xf32, #tpu.memory_space<hbm>>
      %dma_start3A_26 = tpu.memref_slice %arg8[%cond3A] : memref<2x!tpu.dma_semaphore, #tpu.memory_space<semaphore_mem>> -> memref<1x!tpu.dma_semaphore, #tpu.memory_space<semaphore_mem>>
      %dma_start3A_27 = tpu.memref_squeeze %dma_start3A_26 : memref<1x!tpu.dma_semaphore, #tpu.memory_space<semaphore_mem>> -> memref<!tpu.dma_semaphore, #tpu.memory_space<semaphore_mem>>
      %dma_start3A_28 = arith.constant 0 : i32
      %dma_start3A_29 = tpu.memref_slice %arg2[%min3A_4, %dma_start3A_28] : memref<10000x64xf32, #tpu.memory_space<hbm>> -> memref<128x64xf32, #tpu.memory_space<hbm>>
      tpu.enqueue_dma source(%dma_start3A_29 : memref<128x64xf32, #tpu.memory_space<hbm>>) target(%arg5 : memref<128x64xf32, #tpu.memory_space<vmem>>) target_semaphore(%dma_start3A_27 : memref<!tpu.dma_semaphore, #tpu.memory_space<semaphore_mem>>)
    } else {
    }
    %not3A = arith.constant true
    %not3A_14 = arith.xori %le3A_10, %not3A : i1
    %convert_element_type3A_15 = arith.extui %not3A_14 : i1 to i32
    %cond3A_16 = arith.constant 0 : i32
    %cond3A_17 = arith.constant 0 : i32
    %cond3A_18 = arith.cmpi ne, %convert_element_type3A_15, %cond3A_17 : i32
    scf.if %cond3A_18 {
      %dma_start3A = arith.constant 0 : i32
      %dma_start3A_25 = tpu.memref_slice %arg3[%sub3A_11, %dma_start3A] : memref<40000x64xf32, #tpu.memory_space<hbm>> -> memref<128x64xf32, #tpu.memory_space<hbm>>
      %dma_start3A_26 = tpu.memref_slice %arg8[%cond3A_16] : memref<2x!tpu.dma_semaphore, #tpu.memory_space<semaphore_mem>> -> memref<1x!tpu.dma_semaphore, #tpu.memory_space<semaphore_mem>>
      %dma_start3A_27 = tpu.memref_squeeze %dma_start3A_26 : memref<1x!tpu.dma_semaphore, #tpu.memory_space<semaphore_mem>> -> memref<!tpu.dma_semaphore, #tpu.memory_space<semaphore_mem>>
      %dma_start3A_28 = arith.constant 0 : i32
      %dma_start3A_29 = tpu.memref_slice %arg3[%sub3A_11, %dma_start3A_28] : memref<40000x64xf32, #tpu.memory_space<hbm>> -> memref<128x64xf32, #tpu.memory_space<hbm>>
      tpu.enqueue_dma source(%dma_start3A_29 : memref<128x64xf32, #tpu.memory_space<hbm>>) target(%arg5 : memref<128x64xf32, #tpu.memory_space<vmem>>) target_semaphore(%dma_start3A_27 : memref<!tpu.dma_semaphore, #tpu.memory_space<semaphore_mem>>)
    } else {
    }
    %scan3A = arith.constant 0 : i32
    %scan3A_19 = arith.constant 0 : i32
    %scan3A_20 = arith.constant 13 : i32
    %scan3A_21 = arith.addi %scan3A_19, %scan3A_20 : i32
    %scan3A_22 = arith.constant 1 : i32
    %scan3A_23 = scf.for %scan3A_25 = %scan3A_19 to %scan3A_21 step %scan3A_22 iter_args(%scan3A_26 = %scan3A) -> (i32)  : i32 {
      %mul3A_27 = arith.constant 2 : i32
      %mul3A_28 = arith.muli %scan3A_25, %mul3A_27 : i32
      %add3A_29 = arith.constant 0 : i32
      %add3A_30 = arith.addi %mul3A_28, %add3A_29 : i32
      %lt3A = arith.constant 25 : i32
      %lt3A_31 = arith.cmpi slt, %add3A_30, %lt3A : i32
      %convert_element_type3A_32 = arith.extui %lt3A_31 : i1 to i32
      %cond3A_33 = arith.constant 0 : i32
      %cond3A_34 = arith.cmpi ne, %convert_element_type3A_32, %cond3A_33 : i32
      scf.if %cond3A_34 {
        %add3A_45 = arith.constant 1 : i32
        %add3A_46 = arith.addi %add3A_30, %add3A_45 : i32
        %lt3A_47 = arith.constant 25 : i32
        %lt3A_48 = arith.cmpi slt, %add3A_46, %lt3A_47 : i32
        %convert_element_type3A_49 = arith.extui %lt3A_48 : i1 to i32
        %cond3A_50 = arith.constant 0 : i32
        %cond3A_51 = arith.cmpi ne, %convert_element_type3A_49, %cond3A_50 : i32
        scf.if %cond3A_51 {
          %add3A_88 = arith.constant 1 : i32
          %add3A_89 = arith.addi %add3A_30, %add3A_88 : i32
          %mul3A_90 = arith.constant 128 : i32
          %mul3A_91 = arith.muli %add3A_89, %mul3A_90 : i32
          %add3A_92 = arith.addi %mul3A_0, %mul3A_91 : i32
          %min3A_93 = arith.constant 49872 : i32
          %min3A_94 = arith.minsi %add3A_92, %min3A_93 : i32
          %max3A_95 = arith.constant 10000 : i32
          %max3A_96 = arith.maxsi %min3A_94, %max3A_95 : i32
          %min3A_97 = arith.constant 49872 : i32
          %min3A_98 = arith.minsi %max3A_96, %min3A_97 : i32
          %add3A_99 = arith.constant 128 : i32
          %add3A_100 = arith.addi %min3A_94, %add3A_99 : i32
          %le3A_101 = arith.constant 10000 : i32
          %le3A_102 = arith.cmpi sle, %add3A_100, %le3A_101 : i32
          %sub3A_103 = arith.constant 10000 : i32
          %sub3A_104 = arith.subi %min3A_98, %sub3A_103 : i32
          %convert_element_type3A_105 = arith.extui %le3A_102 : i1 to i32
          %cond3A_106 = arith.constant 1 : i32
          %cond3A_107 = arith.constant 0 : i32
          %cond3A_108 = arith.cmpi ne, %convert_element_type3A_105, %cond3A_107 : i32
          scf.if %cond3A_108 {
            %dma_start3A = arith.constant 0 : i32
            %dma_start3A_115 = tpu.memref_slice %arg2[%min3A_94, %dma_start3A] : memref<10000x64xf32, #tpu.memory_space<hbm>> -> memref<128x64xf32, #tpu.memory_space<hbm>>
            %dma_start3A_116 = tpu.memref_slice %arg8[%cond3A_106] : memref<2x!tpu.dma_semaphore, #tpu.memory_space<semaphore_mem>> -> memref<1x!tpu.dma_semaphore, #tpu.memory_space<semaphore_mem>>
            %dma_start3A_117 = tpu.memref_squeeze %dma_start3A_116 : memref<1x!tpu.dma_semaphore, #tpu.memory_space<semaphore_mem>> -> memref<!tpu.dma_semaphore, #tpu.memory_space<semaphore_mem>>
            %dma_start3A_118 = arith.constant 0 : i32
            %dma_start3A_119 = tpu.memref_slice %arg2[%min3A_94, %dma_start3A_118] : memref<10000x64xf32, #tpu.memory_space<hbm>> -> memref<128x64xf32, #tpu.memory_space<hbm>>
            tpu.enqueue_dma source(%dma_start3A_119 : memref<128x64xf32, #tpu.memory_space<hbm>>) target(%arg6 : memref<128x64xf32, #tpu.memory_space<vmem>>) target_semaphore(%dma_start3A_117 : memref<!tpu.dma_semaphore, #tpu.memory_space<semaphore_mem>>)
          } else {
          }
          %not3A_109 = arith.constant true
          %not3A_110 = arith.xori %le3A_102, %not3A_109 : i1
          %convert_element_type3A_111 = arith.extui %not3A_110 : i1 to i32
          %cond3A_112 = arith.constant 1 : i32
          %cond3A_113 = arith.constant 0 : i32
          %cond3A_114 = arith.cmpi ne, %convert_element_type3A_111, %cond3A_113 : i32
          scf.if %cond3A_114 {
            %dma_start3A = arith.constant 0 : i32
            %dma_start3A_115 = tpu.memref_slice %arg3[%sub3A_104, %dma_start3A] : memref<40000x64xf32, #tpu.memory_space<hbm>> -> memref<128x64xf32, #tpu.memory_space<hbm>>
            %dma_start3A_116 = tpu.memref_slice %arg8[%cond3A_112] : memref<2x!tpu.dma_semaphore, #tpu.memory_space<semaphore_mem>> -> memref<1x!tpu.dma_semaphore, #tpu.memory_space<semaphore_mem>>
            %dma_start3A_117 = tpu.memref_squeeze %dma_start3A_116 : memref<1x!tpu.dma_semaphore, #tpu.memory_space<semaphore_mem>> -> memref<!tpu.dma_semaphore, #tpu.memory_space<semaphore_mem>>
            %dma_start3A_118 = arith.constant 0 : i32
            %dma_start3A_119 = tpu.memref_slice %arg3[%sub3A_104, %dma_start3A_118] : memref<40000x64xf32, #tpu.memory_space<hbm>> -> memref<128x64xf32, #tpu.memory_space<hbm>>
            tpu.enqueue_dma source(%dma_start3A_119 : memref<128x64xf32, #tpu.memory_space<hbm>>) target(%arg6 : memref<128x64xf32, #tpu.memory_space<vmem>>) target_semaphore(%dma_start3A_117 : memref<!tpu.dma_semaphore, #tpu.memory_space<semaphore_mem>>)
          } else {
          }
        } else {
        }
        %mul3A_52 = arith.constant 128 : i32
        %mul3A_53 = arith.muli %add3A_30, %mul3A_52 : i32
        %add3A_54 = arith.addi %mul3A_0, %mul3A_53 : i32
        %min3A_55 = arith.constant 49872 : i32
        %min3A_56 = arith.minsi %add3A_54, %min3A_55 : i32
        %max3A_57 = arith.constant 10000 : i32
        %max3A_58 = arith.maxsi %min3A_56, %max3A_57 : i32
        %min3A_59 = arith.constant 49872 : i32
        %min3A_60 = arith.minsi %max3A_58, %min3A_59 : i32
        %add3A_61 = arith.constant 128 : i32
        %add3A_62 = arith.addi %min3A_56, %add3A_61 : i32
        %le3A_63 = arith.constant 10000 : i32
        %le3A_64 = arith.cmpi sle, %add3A_62, %le3A_63 : i32
        %sub3A_65 = arith.constant 10000 : i32
        %sub3A_66 = arith.subi %min3A_60, %sub3A_65 : i32
        %dma_wait3A = arith.constant 0 : i32
        %dma_wait3A_67 = arith.constant 0 : i32
        %dma_wait3A_68 = tpu.memref_slice %arg2[%min3A_56, %dma_wait3A_67] : memref<10000x64xf32, #tpu.memory_space<hbm>> -> memref<128x64xf32, #tpu.memory_space<hbm>>
        %dma_wait3A_69 = tpu.memref_slice %arg8[%dma_wait3A] : memref<2x!tpu.dma_semaphore, #tpu.memory_space<semaphore_mem>> -> memref<1x!tpu.dma_semaphore, #tpu.memory_space<semaphore_mem>>
        %dma_wait3A_70 = tpu.memref_squeeze %dma_wait3A_69 : memref<1x!tpu.dma_semaphore, #tpu.memory_space<semaphore_mem>> -> memref<!tpu.dma_semaphore, #tpu.memory_space<semaphore_mem>>
        %dma_wait3A_71 = arith.constant 0 : i32
        %dma_wait3A_72 = tpu.memref_slice %arg2[%min3A_56, %dma_wait3A_71] : memref<10000x64xf32, #tpu.memory_space<hbm>> -> memref<128x64xf32, #tpu.memory_space<hbm>>
        tpu.wait_dma2 semaphore(%dma_wait3A_70 : memref<!tpu.dma_semaphore, #tpu.memory_space<semaphore_mem>>) src(%dma_wait3A_72 : memref<128x64xf32, #tpu.memory_space<hbm>>) dst(%arg5 : memref<128x64xf32, #tpu.memory_space<vmem>>)
        %mul3A_73 = arith.constant 128 : i32
        %mul3A_74 = arith.muli %add3A_30, %mul3A_73 : i32
        %add3A_75 = arith.addi %mul3A_0, %mul3A_74 : i32
        %min3A_76 = arith.constant 49872 : i32
        %min3A_77 = arith.minsi %add3A_75, %min3A_76 : i32
        %select_n3A = arith.select %le3A_64, %min3A_77, %min3A_60 : i32
        %mul3A_78 = arith.constant 32 : i32
        %mul3A_79 = arith.muli %arg0, %mul3A_78 : i32
        "tpu.region"() ({
          %run_scoped3A = tpu.sem_alloc : memref<!tpu.dma_semaphore, #tpu.memory_space<semaphore_mem>>
          %dma_start3A = arith.constant 0 : i32
          %dma_start3A_88 = tpu.memref_slice %arg5[%dma_start3A, %mul3A_79] : memref<128x64xf32, #tpu.memory_space<vmem>> -> memref<128x32xf32, #tpu.memory_space<vmem>>
          %dma_start3A_89 = arith.constant 0 : i32
          %dma_start3A_90 = arith.constant 0 : i32
          %dma_start3A_91 = tpu.memref_slice %arg4[%arg0, %dma_start3A_89, %dma_start3A_90] : memref<2x50048x32xf32, #tpu.memory_space<hbm>> -> memref<1x50048x32xf32, #tpu.memory_space<hbm>>
          %dma_start3A_92 = tpu.memref_squeeze %dma_start3A_91 : memref<1x50048x32xf32, #tpu.memory_space<hbm>> -> memref<50048x32xf32, #tpu.memory_space<hbm>>
          %dma_start3A_93 = arith.constant 0 : i32
          %dma_start3A_94 = tpu.memref_slice %dma_start3A_92[%select_n3A, %dma_start3A_93] : memref<50048x32xf32, #tpu.memory_space<hbm>> -> memref<128x32xf32, #tpu.memory_space<hbm>>
          %dma_start3A_95 = arith.constant 0 : i32
          %dma_start3A_96 = arith.constant 0 : i32
          %dma_start3A_97 = tpu.memref_slice %arg4[%arg0, %dma_start3A_95, %dma_start3A_96] : memref<2x50048x32xf32, #tpu.memory_space<hbm>> -> memref<1x50048x32xf32, #tpu.memory_space<hbm>>
          %dma_start3A_98 = tpu.memref_squeeze %dma_start3A_97 : memref<1x50048x32xf32, #tpu.memory_space<hbm>> -> memref<50048x32xf32, #tpu.memory_space<hbm>>
          %dma_start3A_99 = arith.constant 0 : i32
          %dma_start3A_100 = tpu.memref_slice %dma_start3A_98[%select_n3A, %dma_start3A_99] : memref<50048x32xf32, #tpu.memory_space<hbm>> -> memref<128x32xf32, #tpu.memory_space<hbm>>
          %dma_start3A_101 = arith.constant 0 : i32
          %dma_start3A_102 = tpu.memref_slice %arg5[%dma_start3A_101, %mul3A_79] : memref<128x64xf32, #tpu.memory_space<vmem>> -> memref<128x32xf32, #tpu.memory_space<vmem>>
          tpu.enqueue_dma source(%dma_start3A_102 : memref<128x32xf32, #tpu.memory_space<vmem>>) target(%dma_start3A_100 : memref<128x32xf32, #tpu.memory_space<hbm>>) target_semaphore(%run_scoped3A : memref<!tpu.dma_semaphore, #tpu.memory_space<semaphore_mem>>)
          %dma_wait3A_103 = arith.constant 0 : i32
          %dma_wait3A_104 = tpu.memref_slice %arg5[%dma_wait3A_103, %mul3A_79] : memref<128x64xf32, #tpu.memory_space<vmem>> -> memref<128x32xf32, #tpu.memory_space<vmem>>
          %dma_wait3A_105 = arith.constant 0 : i32
          %dma_wait3A_106 = arith.constant 0 : i32
          %dma_wait3A_107 = tpu.memref_slice %arg4[%arg0, %dma_wait3A_105, %dma_wait3A_106] : memref<2x50048x32xf32, #tpu.memory_space<hbm>> -> memref<1x50048x32xf32, #tpu.memory_space<hbm>>
          %dma_wait3A_108 = tpu.memref_squeeze %dma_wait3A_107 : memref<1x50048x32xf32, #tpu.memory_space<hbm>> -> memref<50048x32xf32, #tpu.memory_space<hbm>>
          %dma_wait3A_109 = arith.constant 0 : i32
          %dma_wait3A_110 = tpu.memref_slice %dma_wait3A_108[%select_n3A, %dma_wait3A_109] : memref<50048x32xf32, #tpu.memory_space<hbm>> -> memref<128x32xf32, #tpu.memory_space<hbm>>
          %dma_wait3A_111 = arith.constant 0 : i32
          %dma_wait3A_112 = arith.constant 0 : i32
          %dma_wait3A_113 = tpu.memref_slice %arg4[%arg0, %dma_wait3A_111, %dma_wait3A_112] : memref<2x50048x32xf32, #tpu.memory_space<hbm>> -> memref<1x50048x32xf32, #tpu.memory_space<hbm>>
          %dma_wait3A_114 = tpu.memref_squeeze %dma_wait3A_113 : memref<1x50048x32xf32, #tpu.memory_space<hbm>> -> memref<50048x32xf32, #tpu.memory_space<hbm>>
          %dma_wait3A_115 = arith.constant 0 : i32
          %dma_wait3A_116 = tpu.memref_slice %dma_wait3A_114[%select_n3A, %dma_wait3A_115] : memref<50048x32xf32, #tpu.memory_space<hbm>> -> memref<128x32xf32, #tpu.memory_space<hbm>>
          %dma_wait3A_117 = arith.constant 0 : i32
          %dma_wait3A_118 = tpu.memref_slice %arg5[%dma_wait3A_117, %mul3A_79] : memref<128x64xf32, #tpu.memory_space<vmem>> -> memref<128x32xf32, #tpu.memory_space<vmem>>
          tpu.wait_dma2 semaphore(%run_scoped3A : memref<!tpu.dma_semaphore, #tpu.memory_space<semaphore_mem>>) src(%dma_wait3A_118 : memref<128x32xf32, #tpu.memory_space<vmem>>) dst(%dma_wait3A_116 : memref<128x32xf32, #tpu.memory_space<hbm>>)
          tpu.yield
        }) : () -> ()
        %lt3A_80 = arith.constant 10000 : i32
        %lt3A_81 = arith.cmpi slt, %min3A_77, %lt3A_80 : i32
        %add3A_82 = arith.constant 128 : i32
        %add3A_83 = arith.addi %min3A_77, %add3A_82 : i32
        %gt3A = arith.constant 10000 : i32
        %gt3A_84 = arith.cmpi sgt, %add3A_83, %gt3A : i32
        %and3A = arith.andi %lt3A_81, %gt3A_84 : i1
        %convert_element_type3A_85 = arith.extui %and3A : i1 to i32
        %cond3A_86 = arith.constant 0 : i32
        %cond3A_87 = arith.cmpi ne, %convert_element_type3A_85, %cond3A_86 : i32
        scf.if %cond3A_87 {
          "tpu.region"() ({
            %run_scoped3A = tpu.sem_alloc : memref<!tpu.dma_semaphore, #tpu.memory_space<semaphore_mem>>
            %dma_start3A = arith.constant 9872 : i32
            %dma_start3A_90 = arith.constant 0 : i32
            %dma_start3A_91 = tpu.memref_slice %arg2[%dma_start3A, %dma_start3A_90] : memref<10000x64xf32, #tpu.memory_space<hbm>> -> memref<128x64xf32, #tpu.memory_space<hbm>>
            %dma_start3A_92 = arith.constant 9872 : i32
            %dma_start3A_93 = arith.constant 0 : i32
            %dma_start3A_94 = tpu.memref_slice %arg2[%dma_start3A_92, %dma_start3A_93] : memref<10000x64xf32, #tpu.memory_space<hbm>> -> memref<128x64xf32, #tpu.memory_space<hbm>>
            tpu.enqueue_dma source(%dma_start3A_94 : memref<128x64xf32, #tpu.memory_space<hbm>>) target(%arg7 : memref<128x64xf32, #tpu.memory_space<vmem>>) target_semaphore(%run_scoped3A : memref<!tpu.dma_semaphore, #tpu.memory_space<semaphore_mem>>)
            %dma_wait3A_95 = arith.constant 9872 : i32
            %dma_wait3A_96 = arith.constant 0 : i32
            %dma_wait3A_97 = tpu.memref_slice %arg2[%dma_wait3A_95, %dma_wait3A_96] : memref<10000x64xf32, #tpu.memory_space<hbm>> -> memref<128x64xf32, #tpu.memory_space<hbm>>
            %dma_wait3A_98 = arith.constant 9872 : i32
            %dma_wait3A_99 = arith.constant 0 : i32
            %dma_wait3A_100 = tpu.memref_slice %arg2[%dma_wait3A_98, %dma_wait3A_99] : memref<10000x64xf32, #tpu.memory_space<hbm>> -> memref<128x64xf32, #tpu.memory_space<hbm>>
            tpu.wait_dma2 semaphore(%run_scoped3A : memref<!tpu.dma_semaphore, #tpu.memory_space<semaphore_mem>>) src(%dma_wait3A_100 : memref<128x64xf32, #tpu.memory_space<hbm>>) dst(%arg7 : memref<128x64xf32, #tpu.memory_space<vmem>>)
            tpu.yield
          }) : () -> ()
          %mul3A_88 = arith.constant 32 : i32
          %mul3A_89 = arith.muli %arg0, %mul3A_88 : i32
          "tpu.region"() ({
            %run_scoped3A = tpu.sem_alloc : memref<!tpu.dma_semaphore, #tpu.memory_space<semaphore_mem>>
            %dma_start3A = arith.constant 0 : i32
            %dma_start3A_90 = tpu.memref_slice %arg7[%dma_start3A, %mul3A_89] : memref<128x64xf32, #tpu.memory_space<vmem>> -> memref<128x32xf32, #tpu.memory_space<vmem>>
            %dma_start3A_91 = arith.constant 0 : i32
            %dma_start3A_92 = arith.constant 0 : i32
            %dma_start3A_93 = tpu.memref_slice %arg4[%arg0, %dma_start3A_91, %dma_start3A_92] : memref<2x50048x32xf32, #tpu.memory_space<hbm>> -> memref<1x50048x32xf32, #tpu.memory_space<hbm>>
            %dma_start3A_94 = tpu.memref_squeeze %dma_start3A_93 : memref<1x50048x32xf32, #tpu.memory_space<hbm>> -> memref<50048x32xf32, #tpu.memory_space<hbm>>
            %dma_start3A_95 = arith.constant 9872 : i32
            %dma_start3A_96 = arith.constant 0 : i32
            %dma_start3A_97 = tpu.memref_slice %dma_start3A_94[%dma_start3A_95, %dma_start3A_96] : memref<50048x32xf32, #tpu.memory_space<hbm>> -> memref<128x32xf32, #tpu.memory_space<hbm>>
            %dma_start3A_98 = arith.constant 0 : i32
            %dma_start3A_99 = arith.constant 0 : i32
            %dma_start3A_100 = tpu.memref_slice %arg4[%arg0, %dma_start3A_98, %dma_start3A_99] : memref<2x50048x32xf32, #tpu.memory_space<hbm>> -> memref<1x50048x32xf32, #tpu.memory_space<hbm>>
            %dma_start3A_101 = tpu.memref_squeeze %dma_start3A_100 : memref<1x50048x32xf32, #tpu.memory_space<hbm>> -> memref<50048x32xf32, #tpu.memory_space<hbm>>
            %dma_start3A_102 = arith.constant 9872 : i32
            %dma_start3A_103 = arith.constant 0 : i32
            %dma_start3A_104 = tpu.memref_slice %dma_start3A_101[%dma_start3A_102, %dma_start3A_103] : memref<50048x32xf32, #tpu.memory_space<hbm>> -> memref<128x32xf32, #tpu.memory_space<hbm>>
            %dma_start3A_105 = arith.constant 0 : i32
            %dma_start3A_106 = tpu.memref_slice %arg7[%dma_start3A_105, %mul3A_89] : memref<128x64xf32, #tpu.memory_space<vmem>> -> memref<128x32xf32, #tpu.memory_space<vmem>>
            tpu.enqueue_dma source(%dma_start3A_106 : memref<128x32xf32, #tpu.memory_space<vmem>>) target(%dma_start3A_104 : memref<128x32xf32, #tpu.memory_space<hbm>>) target_semaphore(%run_scoped3A : memref<!tpu.dma_semaphore, #tpu.memory_space<semaphore_mem>>)
            %dma_wait3A_107 = arith.constant 0 : i32
            %dma_wait3A_108 = tpu.memref_slice %arg7[%dma_wait3A_107, %mul3A_89] : memref<128x64xf32, #tpu.memory_space<vmem>> -> memref<128x32xf32, #tpu.memory_space<vmem>>
            %dma_wait3A_109 = arith.constant 0 : i32
            %dma_wait3A_110 = arith.constant 0 : i32
            %dma_wait3A_111 = tpu.memref_slice %arg4[%arg0, %dma_wait3A_109, %dma_wait3A_110] : memref<2x50048x32xf32, #tpu.memory_space<hbm>> -> memref<1x50048x32xf32, #tpu.memory_space<hbm>>
            %dma_wait3A_112 = tpu.memref_squeeze %dma_wait3A_111 : memref<1x50048x32xf32, #tpu.memory_space<hbm>> -> memref<50048x32xf32, #tpu.memory_space<hbm>>
            %dma_wait3A_113 = arith.constant 9872 : i32
            %dma_wait3A_114 = arith.constant 0 : i32
            %dma_wait3A_115 = tpu.memref_slice %dma_wait3A_112[%dma_wait3A_113, %dma_wait3A_114] : memref<50048x32xf32, #tpu.memory_space<hbm>> -> memref<128x32xf32, #tpu.memory_space<hbm>>
            %dma_wait3A_116 = arith.constant 0 : i32
            %dma_wait3A_117 = arith.constant 0 : i32
            %dma_wait3A_118 = tpu.memref_slice %arg4[%arg0, %dma_wait3A_116, %dma_wait3A_117] : memref<2x50048x32xf32, #tpu.memory_space<hbm>> -> memref<1x50048x32xf32, #tpu.memory_space<hbm>>
            %dma_wait3A_119 = tpu.memref_squeeze %dma_wait3A_118 : memref<1x50048x32xf32, #tpu.memory_space<hbm>> -> memref<50048x32xf32, #tpu.memory_space<hbm>>
            %dma_wait3A_120 = arith.constant 9872 : i32
            %dma_wait3A_121 = arith.constant 0 : i32
            %dma_wait3A_122 = tpu.memref_slice %dma_wait3A_119[%dma_wait3A_120, %dma_wait3A_121] : memref<50048x32xf32, #tpu.memory_space<hbm>> -> memref<128x32xf32, #tpu.memory_space<hbm>>
            %dma_wait3A_123 = arith.constant 0 : i32
            %dma_wait3A_124 = tpu.memref_slice %arg7[%dma_wait3A_123, %mul3A_89] : memref<128x64xf32, #tpu.memory_space<vmem>> -> memref<128x32xf32, #tpu.memory_space<vmem>>
            tpu.wait_dma2 semaphore(%run_scoped3A : memref<!tpu.dma_semaphore, #tpu.memory_space<semaphore_mem>>) src(%dma_wait3A_124 : memref<128x32xf32, #tpu.memory_space<vmem>>) dst(%dma_wait3A_122 : memref<128x32xf32, #tpu.memory_space<hbm>>)
            tpu.yield
          }) : () -> ()
        } else {
        }
      } else {
      }
      %mul3A_35 = arith.constant 2 : i32
      %mul3A_36 = arith.muli %scan3A_25, %mul3A_35 : i32
      %add3A_37 = arith.constant 1 : i32
      %add3A_38 = arith.addi %mul3A_36, %add3A_37 : i32
      %lt3A_39 = arith.constant 25 : i32
      %lt3A_40 = arith.cmpi slt, %add3A_38, %lt3A_39 : i32
      %convert_element_type3A_41 = arith.extui %lt3A_40 : i1 to i32
      %cond3A_42 = arith.constant 0 : i32
      %cond3A_43 = arith.cmpi ne, %convert_element_type3A_41, %cond3A_42 : i32
      scf.if %cond3A_43 {
        %add3A_45 = arith.constant 1 : i32
        %add3A_46 = arith.addi %add3A_38, %add3A_45 : i32
        %lt3A_47 = arith.constant 25 : i32
        %lt3A_48 = arith.cmpi slt, %add3A_46, %lt3A_47 : i32
        %convert_element_type3A_49 = arith.extui %lt3A_48 : i1 to i32
        %cond3A_50 = arith.constant 0 : i32
        %cond3A_51 = arith.cmpi ne, %convert_element_type3A_49, %cond3A_50 : i32
        scf.if %cond3A_51 {
          %add3A_88 = arith.constant 1 : i32
          %add3A_89 = arith.addi %add3A_38, %add3A_88 : i32
          %mul3A_90 = arith.constant 128 : i32
          %mul3A_91 = arith.muli %add3A_89, %mul3A_90 : i32
          %add3A_92 = arith.addi %mul3A_0, %mul3A_91 : i32
          %min3A_93 = arith.constant 49872 : i32
          %min3A_94 = arith.minsi %add3A_92, %min3A_93 : i32
          %max3A_95 = arith.constant 10000 : i32
          %max3A_96 = arith.maxsi %min3A_94, %max3A_95 : i32
          %min3A_97 = arith.constant 49872 : i32
          %min3A_98 = arith.minsi %max3A_96, %min3A_97 : i32
          %add3A_99 = arith.constant 128 : i32
          %add3A_100 = arith.addi %min3A_94, %add3A_99 : i32
          %le3A_101 = arith.constant 10000 : i32
          %le3A_102 = arith.cmpi sle, %add3A_100, %le3A_101 : i32
          %sub3A_103 = arith.constant 10000 : i32
          %sub3A_104 = arith.subi %min3A_98, %sub3A_103 : i32
          %convert_element_type3A_105 = arith.extui %le3A_102 : i1 to i32
          %cond3A_106 = arith.constant 0 : i32
          %cond3A_107 = arith.constant 0 : i32
          %cond3A_108 = arith.cmpi ne, %convert_element_type3A_105, %cond3A_107 : i32
          scf.if %cond3A_108 {
            %dma_start3A = arith.constant 0 : i32
            %dma_start3A_115 = tpu.memref_slice %arg2[%min3A_94, %dma_start3A] : memref<10000x64xf32, #tpu.memory_space<hbm>> -> memref<128x64xf32, #tpu.memory_space<hbm>>
            %dma_start3A_116 = tpu.memref_slice %arg8[%cond3A_106] : memref<2x!tpu.dma_semaphore, #tpu.memory_space<semaphore_mem>> -> memref<1x!tpu.dma_semaphore, #tpu.memory_space<semaphore_mem>>
            %dma_start3A_117 = tpu.memref_squeeze %dma_start3A_116 : memref<1x!tpu.dma_semaphore, #tpu.memory_space<semaphore_mem>> -> memref<!tpu.dma_semaphore, #tpu.memory_space<semaphore_mem>>
            %dma_start3A_118 = arith.constant 0 : i32
            %dma_start3A_119 = tpu.memref_slice %arg2[%min3A_94, %dma_start3A_118] : memref<10000x64xf32, #tpu.memory_space<hbm>> -> memref<128x64xf32, #tpu.memory_space<hbm>>
            tpu.enqueue_dma source(%dma_start3A_119 : memref<128x64xf32, #tpu.memory_space<hbm>>) target(%arg5 : memref<128x64xf32, #tpu.memory_space<vmem>>) target_semaphore(%dma_start3A_117 : memref<!tpu.dma_semaphore, #tpu.memory_space<semaphore_mem>>)
          } else {
          }
          %not3A_109 = arith.constant true
          %not3A_110 = arith.xori %le3A_102, %not3A_109 : i1
          %convert_element_type3A_111 = arith.extui %not3A_110 : i1 to i32
          %cond3A_112 = arith.constant 0 : i32
          %cond3A_113 = arith.constant 0 : i32
          %cond3A_114 = arith.cmpi ne, %convert_element_type3A_111, %cond3A_113 : i32
          scf.if %cond3A_114 {
            %dma_start3A = arith.constant 0 : i32
            %dma_start3A_115 = tpu.memref_slice %arg3[%sub3A_104, %dma_start3A] : memref<40000x64xf32, #tpu.memory_space<hbm>> -> memref<128x64xf32, #tpu.memory_space<hbm>>
            %dma_start3A_116 = tpu.memref_slice %arg8[%cond3A_112] : memref<2x!tpu.dma_semaphore, #tpu.memory_space<semaphore_mem>> -> memref<1x!tpu.dma_semaphore, #tpu.memory_space<semaphore_mem>>
            %dma_start3A_117 = tpu.memref_squeeze %dma_start3A_116 : memref<1x!tpu.dma_semaphore, #tpu.memory_space<semaphore_mem>> -> memref<!tpu.dma_semaphore, #tpu.memory_space<semaphore_mem>>
            %dma_start3A_118 = arith.constant 0 : i32
            %dma_start3A_119 = tpu.memref_slice %arg3[%sub3A_104, %dma_start3A_118] : memref<40000x64xf32, #tpu.memory_space<hbm>> -> memref<128x64xf32, #tpu.memory_space<hbm>>
            tpu.enqueue_dma source(%dma_start3A_119 : memref<128x64xf32, #tpu.memory_space<hbm>>) target(%arg5 : memref<128x64xf32, #tpu.memory_space<vmem>>) target_semaphore(%dma_start3A_117 : memref<!tpu.dma_semaphore, #tpu.memory_space<semaphore_mem>>)
          } else {
          }
        } else {
        }
        %mul3A_52 = arith.constant 128 : i32
        %mul3A_53 = arith.muli %add3A_38, %mul3A_52 : i32
        %add3A_54 = arith.addi %mul3A_0, %mul3A_53 : i32
        %min3A_55 = arith.constant 49872 : i32
        %min3A_56 = arith.minsi %add3A_54, %min3A_55 : i32
        %max3A_57 = arith.constant 10000 : i32
        %max3A_58 = arith.maxsi %min3A_56, %max3A_57 : i32
        %min3A_59 = arith.constant 49872 : i32
        %min3A_60 = arith.minsi %max3A_58, %min3A_59 : i32
        %add3A_61 = arith.constant 128 : i32
        %add3A_62 = arith.addi %min3A_56, %add3A_61 : i32
        %le3A_63 = arith.constant 10000 : i32
        %le3A_64 = arith.cmpi sle, %add3A_62, %le3A_63 : i32
        %sub3A_65 = arith.constant 10000 : i32
        %sub3A_66 = arith.subi %min3A_60, %sub3A_65 : i32
        %dma_wait3A = arith.constant 1 : i32
        %dma_wait3A_67 = arith.constant 0 : i32
        %dma_wait3A_68 = tpu.memref_slice %arg2[%min3A_56, %dma_wait3A_67] : memref<10000x64xf32, #tpu.memory_space<hbm>> -> memref<128x64xf32, #tpu.memory_space<hbm>>
        %dma_wait3A_69 = tpu.memref_slice %arg8[%dma_wait3A] : memref<2x!tpu.dma_semaphore, #tpu.memory_space<semaphore_mem>> -> memref<1x!tpu.dma_semaphore, #tpu.memory_space<semaphore_mem>>
        %dma_wait3A_70 = tpu.memref_squeeze %dma_wait3A_69 : memref<1x!tpu.dma_semaphore, #tpu.memory_space<semaphore_mem>> -> memref<!tpu.dma_semaphore, #tpu.memory_space<semaphore_mem>>
        %dma_wait3A_71 = arith.constant 0 : i32
        %dma_wait3A_72 = tpu.memref_slice %arg2[%min3A_56, %dma_wait3A_71] : memref<10000x64xf32, #tpu.memory_space<hbm>> -> memref<128x64xf32, #tpu.memory_space<hbm>>
        tpu.wait_dma2 semaphore(%dma_wait3A_70 : memref<!tpu.dma_semaphore, #tpu.memory_space<semaphore_mem>>) src(%dma_wait3A_72 : memref<128x64xf32, #tpu.memory_space<hbm>>) dst(%arg6 : memref<128x64xf32, #tpu.memory_space<vmem>>)
        %mul3A_73 = arith.constant 128 : i32
        %mul3A_74 = arith.muli %add3A_38, %mul3A_73 : i32
        %add3A_75 = arith.addi %mul3A_0, %mul3A_74 : i32
        %min3A_76 = arith.constant 49872 : i32
        %min3A_77 = arith.minsi %add3A_75, %min3A_76 : i32
        %select_n3A = arith.select %le3A_64, %min3A_77, %min3A_60 : i32
        %mul3A_78 = arith.constant 32 : i32
        %mul3A_79 = arith.muli %arg0, %mul3A_78 : i32
        "tpu.region"() ({
          %run_scoped3A = tpu.sem_alloc : memref<!tpu.dma_semaphore, #tpu.memory_space<semaphore_mem>>
          %dma_start3A = arith.constant 0 : i32
          %dma_start3A_88 = tpu.memref_slice %arg6[%dma_start3A, %mul3A_79] : memref<128x64xf32, #tpu.memory_space<vmem>> -> memref<128x32xf32, #tpu.memory_space<vmem>>
          %dma_start3A_89 = arith.constant 0 : i32
          %dma_start3A_90 = arith.constant 0 : i32
          %dma_start3A_91 = tpu.memref_slice %arg4[%arg0, %dma_start3A_89, %dma_start3A_90] : memref<2x50048x32xf32, #tpu.memory_space<hbm>> -> memref<1x50048x32xf32, #tpu.memory_space<hbm>>
          %dma_start3A_92 = tpu.memref_squeeze %dma_start3A_91 : memref<1x50048x32xf32, #tpu.memory_space<hbm>> -> memref<50048x32xf32, #tpu.memory_space<hbm>>
          %dma_start3A_93 = arith.constant 0 : i32
          %dma_start3A_94 = tpu.memref_slice %dma_start3A_92[%select_n3A, %dma_start3A_93] : memref<50048x32xf32, #tpu.memory_space<hbm>> -> memref<128x32xf32, #tpu.memory_space<hbm>>
          %dma_start3A_95 = arith.constant 0 : i32
          %dma_start3A_96 = arith.constant 0 : i32
          %dma_start3A_97 = tpu.memref_slice %arg4[%arg0, %dma_start3A_95, %dma_start3A_96] : memref<2x50048x32xf32, #tpu.memory_space<hbm>> -> memref<1x50048x32xf32, #tpu.memory_space<hbm>>
          %dma_start3A_98 = tpu.memref_squeeze %dma_start3A_97 : memref<1x50048x32xf32, #tpu.memory_space<hbm>> -> memref<50048x32xf32, #tpu.memory_space<hbm>>
          %dma_start3A_99 = arith.constant 0 : i32
          %dma_start3A_100 = tpu.memref_slice %dma_start3A_98[%select_n3A, %dma_start3A_99] : memref<50048x32xf32, #tpu.memory_space<hbm>> -> memref<128x32xf32, #tpu.memory_space<hbm>>
          %dma_start3A_101 = arith.constant 0 : i32
          %dma_start3A_102 = tpu.memref_slice %arg6[%dma_start3A_101, %mul3A_79] : memref<128x64xf32, #tpu.memory_space<vmem>> -> memref<128x32xf32, #tpu.memory_space<vmem>>
          tpu.enqueue_dma source(%dma_start3A_102 : memref<128x32xf32, #tpu.memory_space<vmem>>) target(%dma_start3A_100 : memref<128x32xf32, #tpu.memory_space<hbm>>) target_semaphore(%run_scoped3A : memref<!tpu.dma_semaphore, #tpu.memory_space<semaphore_mem>>)
          %dma_wait3A_103 = arith.constant 0 : i32
          %dma_wait3A_104 = tpu.memref_slice %arg6[%dma_wait3A_103, %mul3A_79] : memref<128x64xf32, #tpu.memory_space<vmem>> -> memref<128x32xf32, #tpu.memory_space<vmem>>
          %dma_wait3A_105 = arith.constant 0 : i32
          %dma_wait3A_106 = arith.constant 0 : i32
          %dma_wait3A_107 = tpu.memref_slice %arg4[%arg0, %dma_wait3A_105, %dma_wait3A_106] : memref<2x50048x32xf32, #tpu.memory_space<hbm>> -> memref<1x50048x32xf32, #tpu.memory_space<hbm>>
          %dma_wait3A_108 = tpu.memref_squeeze %dma_wait3A_107 : memref<1x50048x32xf32, #tpu.memory_space<hbm>> -> memref<50048x32xf32, #tpu.memory_space<hbm>>
          %dma_wait3A_109 = arith.constant 0 : i32
          %dma_wait3A_110 = tpu.memref_slice %dma_wait3A_108[%select_n3A, %dma_wait3A_109] : memref<50048x32xf32, #tpu.memory_space<hbm>> -> memref<128x32xf32, #tpu.memory_space<hbm>>
          %dma_wait3A_111 = arith.constant 0 : i32
          %dma_wait3A_112 = arith.constant 0 : i32
          %dma_wait3A_113 = tpu.memref_slice %arg4[%arg0, %dma_wait3A_111, %dma_wait3A_112] : memref<2x50048x32xf32, #tpu.memory_space<hbm>> -> memref<1x50048x32xf32, #tpu.memory_space<hbm>>
          %dma_wait3A_114 = tpu.memref_squeeze %dma_wait3A_113 : memref<1x50048x32xf32, #tpu.memory_space<hbm>> -> memref<50048x32xf32, #tpu.memory_space<hbm>>
          %dma_wait3A_115 = arith.constant 0 : i32
          %dma_wait3A_116 = tpu.memref_slice %dma_wait3A_114[%select_n3A, %dma_wait3A_115] : memref<50048x32xf32, #tpu.memory_space<hbm>> -> memref<128x32xf32, #tpu.memory_space<hbm>>
          %dma_wait3A_117 = arith.constant 0 : i32
          %dma_wait3A_118 = tpu.memref_slice %arg6[%dma_wait3A_117, %mul3A_79] : memref<128x64xf32, #tpu.memory_space<vmem>> -> memref<128x32xf32, #tpu.memory_space<vmem>>
          tpu.wait_dma2 semaphore(%run_scoped3A : memref<!tpu.dma_semaphore, #tpu.memory_space<semaphore_mem>>) src(%dma_wait3A_118 : memref<128x32xf32, #tpu.memory_space<vmem>>) dst(%dma_wait3A_116 : memref<128x32xf32, #tpu.memory_space<hbm>>)
          tpu.yield
        }) : () -> ()
        %lt3A_80 = arith.constant 10000 : i32
        %lt3A_81 = arith.cmpi slt, %min3A_77, %lt3A_80 : i32
        %add3A_82 = arith.constant 128 : i32
        %add3A_83 = arith.addi %min3A_77, %add3A_82 : i32
        %gt3A = arith.constant 10000 : i32
        %gt3A_84 = arith.cmpi sgt, %add3A_83, %gt3A : i32
        %and3A = arith.andi %lt3A_81, %gt3A_84 : i1
        %convert_element_type3A_85 = arith.extui %and3A : i1 to i32
        %cond3A_86 = arith.constant 0 : i32
        %cond3A_87 = arith.cmpi ne, %convert_element_type3A_85, %cond3A_86 : i32
        scf.if %cond3A_87 {
          "tpu.region"() ({
            %run_scoped3A = tpu.sem_alloc : memref<!tpu.dma_semaphore, #tpu.memory_space<semaphore_mem>>
            %dma_start3A = arith.constant 9872 : i32
            %dma_start3A_90 = arith.constant 0 : i32
            %dma_start3A_91 = tpu.memref_slice %arg2[%dma_start3A, %dma_start3A_90] : memref<10000x64xf32, #tpu.memory_space<hbm>> -> memref<128x64xf32, #tpu.memory_space<hbm>>
            %dma_start3A_92 = arith.constant 9872 : i32
            %dma_start3A_93 = arith.constant 0 : i32
            %dma_start3A_94 = tpu.memref_slice %arg2[%dma_start3A_92, %dma_start3A_93] : memref<10000x64xf32, #tpu.memory_space<hbm>> -> memref<128x64xf32, #tpu.memory_space<hbm>>
            tpu.enqueue_dma source(%dma_start3A_94 : memref<128x64xf32, #tpu.memory_space<hbm>>) target(%arg7 : memref<128x64xf32, #tpu.memory_space<vmem>>) target_semaphore(%run_scoped3A : memref<!tpu.dma_semaphore, #tpu.memory_space<semaphore_mem>>)
            %dma_wait3A_95 = arith.constant 9872 : i32
            %dma_wait3A_96 = arith.constant 0 : i32
            %dma_wait3A_97 = tpu.memref_slice %arg2[%dma_wait3A_95, %dma_wait3A_96] : memref<10000x64xf32, #tpu.memory_space<hbm>> -> memref<128x64xf32, #tpu.memory_space<hbm>>
            %dma_wait3A_98 = arith.constant 9872 : i32
            %dma_wait3A_99 = arith.constant 0 : i32
            %dma_wait3A_100 = tpu.memref_slice %arg2[%dma_wait3A_98, %dma_wait3A_99] : memref<10000x64xf32, #tpu.memory_space<hbm>> -> memref<128x64xf32, #tpu.memory_space<hbm>>
            tpu.wait_dma2 semaphore(%run_scoped3A : memref<!tpu.dma_semaphore, #tpu.memory_space<semaphore_mem>>) src(%dma_wait3A_100 : memref<128x64xf32, #tpu.memory_space<hbm>>) dst(%arg7 : memref<128x64xf32, #tpu.memory_space<vmem>>)
            tpu.yield
          }) : () -> ()
          %mul3A_88 = arith.constant 32 : i32
          %mul3A_89 = arith.muli %arg0, %mul3A_88 : i32
          "tpu.region"() ({
            %run_scoped3A = tpu.sem_alloc : memref<!tpu.dma_semaphore, #tpu.memory_space<semaphore_mem>>
            %dma_start3A = arith.constant 0 : i32
            %dma_start3A_90 = tpu.memref_slice %arg7[%dma_start3A, %mul3A_89] : memref<128x64xf32, #tpu.memory_space<vmem>> -> memref<128x32xf32, #tpu.memory_space<vmem>>
            %dma_start3A_91 = arith.constant 0 : i32
            %dma_start3A_92 = arith.constant 0 : i32
            %dma_start3A_93 = tpu.memref_slice %arg4[%arg0, %dma_start3A_91, %dma_start3A_92] : memref<2x50048x32xf32, #tpu.memory_space<hbm>> -> memref<1x50048x32xf32, #tpu.memory_space<hbm>>
            %dma_start3A_94 = tpu.memref_squeeze %dma_start3A_93 : memref<1x50048x32xf32, #tpu.memory_space<hbm>> -> memref<50048x32xf32, #tpu.memory_space<hbm>>
            %dma_start3A_95 = arith.constant 9872 : i32
            %dma_start3A_96 = arith.constant 0 : i32
            %dma_start3A_97 = tpu.memref_slice %dma_start3A_94[%dma_start3A_95, %dma_start3A_96] : memref<50048x32xf32, #tpu.memory_space<hbm>> -> memref<128x32xf32, #tpu.memory_space<hbm>>
            %dma_start3A_98 = arith.constant 0 : i32
            %dma_start3A_99 = arith.constant 0 : i32
            %dma_start3A_100 = tpu.memref_slice %arg4[%arg0, %dma_start3A_98, %dma_start3A_99] : memref<2x50048x32xf32, #tpu.memory_space<hbm>> -> memref<1x50048x32xf32, #tpu.memory_space<hbm>>
            %dma_start3A_101 = tpu.memref_squeeze %dma_start3A_100 : memref<1x50048x32xf32, #tpu.memory_space<hbm>> -> memref<50048x32xf32, #tpu.memory_space<hbm>>
            %dma_start3A_102 = arith.constant 9872 : i32
            %dma_start3A_103 = arith.constant 0 : i32
            %dma_start3A_104 = tpu.memref_slice %dma_start3A_101[%dma_start3A_102, %dma_start3A_103] : memref<50048x32xf32, #tpu.memory_space<hbm>> -> memref<128x32xf32, #tpu.memory_space<hbm>>
            %dma_start3A_105 = arith.constant 0 : i32
            %dma_start3A_106 = tpu.memref_slice %arg7[%dma_start3A_105, %mul3A_89] : memref<128x64xf32, #tpu.memory_space<vmem>> -> memref<128x32xf32, #tpu.memory_space<vmem>>
            tpu.enqueue_dma source(%dma_start3A_106 : memref<128x32xf32, #tpu.memory_space<vmem>>) target(%dma_start3A_104 : memref<128x32xf32, #tpu.memory_space<hbm>>) target_semaphore(%run_scoped3A : memref<!tpu.dma_semaphore, #tpu.memory_space<semaphore_mem>>)
            %dma_wait3A_107 = arith.constant 0 : i32
            %dma_wait3A_108 = tpu.memref_slice %arg7[%dma_wait3A_107, %mul3A_89] : memref<128x64xf32, #tpu.memory_space<vmem>> -> memref<128x32xf32, #tpu.memory_space<vmem>>
            %dma_wait3A_109 = arith.constant 0 : i32
            %dma_wait3A_110 = arith.constant 0 : i32
            %dma_wait3A_111 = tpu.memref_slice %arg4[%arg0, %dma_wait3A_109, %dma_wait3A_110] : memref<2x50048x32xf32, #tpu.memory_space<hbm>> -> memref<1x50048x32xf32, #tpu.memory_space<hbm>>
            %dma_wait3A_112 = tpu.memref_squeeze %dma_wait3A_111 : memref<1x50048x32xf32, #tpu.memory_space<hbm>> -> memref<50048x32xf32, #tpu.memory_space<hbm>>
            %dma_wait3A_113 = arith.constant 9872 : i32
            %dma_wait3A_114 = arith.constant 0 : i32
            %dma_wait3A_115 = tpu.memref_slice %dma_wait3A_112[%dma_wait3A_113, %dma_wait3A_114] : memref<50048x32xf32, #tpu.memory_space<hbm>> -> memref<128x32xf32, #tpu.memory_space<hbm>>
            %dma_wait3A_116 = arith.constant 0 : i32
            %dma_wait3A_117 = arith.constant 0 : i32
            %dma_wait3A_118 = tpu.memref_slice %arg4[%arg0, %dma_wait3A_116, %dma_wait3A_117] : memref<2x50048x32xf32, #tpu.memory_space<hbm>> -> memref<1x50048x32xf32, #tpu.memory_space<hbm>>
            %dma_wait3A_119 = tpu.memref_squeeze %dma_wait3A_118 : memref<1x50048x32xf32, #tpu.memory_space<hbm>> -> memref<50048x32xf32, #tpu.memory_space<hbm>>
            %dma_wait3A_120 = arith.constant 9872 : i32
            %dma_wait3A_121 = arith.constant 0 : i32
            %dma_wait3A_122 = tpu.memref_slice %dma_wait3A_119[%dma_wait3A_120, %dma_wait3A_121] : memref<50048x32xf32, #tpu.memory_space<hbm>> -> memref<128x32xf32, #tpu.memory_space<hbm>>
            %dma_wait3A_123 = arith.constant 0 : i32
            %dma_wait3A_124 = tpu.memref_slice %arg7[%dma_wait3A_123, %mul3A_89] : memref<128x64xf32, #tpu.memory_space<vmem>> -> memref<128x32xf32, #tpu.memory_space<vmem>>
            tpu.wait_dma2 semaphore(%run_scoped3A : memref<!tpu.dma_semaphore, #tpu.memory_space<semaphore_mem>>) src(%dma_wait3A_124 : memref<128x32xf32, #tpu.memory_space<vmem>>) dst(%dma_wait3A_122 : memref<128x32xf32, #tpu.memory_space<hbm>>)
            tpu.yield
          }) : () -> ()
        } else {
        }
      } else {
      }
      %scan3A_44 = arith.constant 0 : i32
      scf.yield %scan3A_44 : i32
    }
    %scan3A_24 = arith.constant 13 : i32
    return
  }
}

</mosaic_0001>

<sc_bundles>
// kernel: _split.3.cloned.1.call-start
scs
__scs_entry_jumppad:
0x0: {  	(pc) =	sbr.rel $0x88, $3  }
0x1: {  	(tag) =	ssettag $0x0;
	lr =	simm.s32 $0x1  }
0x2: {  	[smem:$0x3F9F] =	sst lr;
	_ =	strace $0xD0000000  }
0x3: {  	_ = 	snop  }
0x4: {  	_ = 	snop  }
0x5: {  	_ = 	snop  }
0x6: {  	_ = 	snop  }
0x7: {  	_ = 	snop  }
__scs_overlays_trampoline_lowered:
0x8: {  	[smem:$0x3FAE] =	sst s0  }
0x9: {  	[smem:$0x3FAF] =	sst s1  }
0xa: {  	[smem:$0x3FB0] =	sst s2  }
0xb: {  	[smem:$0x3FB1] =	sst s3  }
0xc: {  	[smem:$0x3FB2] =	sst s4  }
0xd: {  	[smem:$0x3FB3] =	sst s5  }
0xe: {  	[smem:$0x3FB4] =	sst s6  }
0xf: {  	[smem:$0x3FB5] =	sst s7  }
0x10: {  	[smem:$0x3FB6] =	sst s8  }
0x11: {  	[smem:$0x3FB7] =	sst s9;
	s0 =	simm.s32 @!p0 $0x0  }
0x12: {  	s1 =	sld [smem:$0x3F9D];
	s0 =	simm.s32 @p0 $0x1  }
0x13: {  	[smem:$0x3FB8] =	sst s0;
	s0 =	simm.s32 @!p1 $0x0  }
0x14: {  	s2 =	sld [smem:$0x3F9C];
	s0 =	simm.s32 @p1 $0x1  }
0x15: {  	[smem:$0x3FB9] =	sst s0;
	s0 =	simm.s32 @!p2 $0x0  }
0x16: {  	s3 =	sld [smem:$0x3FDB];
	s0 =	simm.s32 @p2 $0x1  }
0x17: {  	s4 =	simm.s32 $0x1BF5;
	[smem:$0x3FBB] =	sst s0  }
0x18: {  	s0 =	sld [smem:$0x3F9E];
	_ =	swait.ge [sflag:s4], $0x0  }
0x19: {  	s7 =	sld [smem:$0x3F9F]  }
0x1a: {  	s8 =	sadd.s32 $0xFFFFE003, lr  }
0x1b: {  	s9 =	sadd.s32 $0xFFFFFEF7, lr;
	s5 =	simm.s32 $0xFFFFFFFF;
	p2 =	slt.u32 s8, $0xFFFFF086  }
0x1c: {  	p1 =	slt.u32 s9, $0xF7A;
	s5 =	simm.s32 @!p2 $0x0  }
0x1d: {  	s5 =	simm.s32 @p1 $0x1;
	p0 =	seq.s32 s7, s2  }
0x1e: {  	s7 =	smul.u32 @!p0 $0xF7A, s2;
	p2 =	seq.s32 @!p0 s5, $0x0  }
0x1f: {  	s9 =	smul.u32 $0xF7A, s1;
	s8 =	simm.s32 @!p0 $0x1BF5;
	p2 =	por !p2, p0  }
0x20: {  	[sflag:s8] =	ssyncset.s32 @!p0 $0xFFFFF086;
	s6 =	sadd.s32 @!p0 s3, s7;
	s7 =	simm.s32 @!p0 $0x108  }
0x21: {  	s3 =	sadd.s32 s3, s9;
	s6 =	sadd.s32 @!p0 $0x88, s6;
	s7 =	simm.s32 @p2 $0x1082  }
0x22: {  	[simem:s7], [sflag:s8] =	dma.local @!p0 [hbm:s6], $0xF7A  }
0x23: {  	s9 =	sor.u32 $0xD0000000, s2;
	s6 =	simm.s32 $0x108;
	_ =	swait.ge @!p0 [sflag:s8], $0x0  }
0x24: {  	s3 =	sadd.s32 $0x88, s3;
	s6 =	simm.s32 @!p1 $0x1082;
	[sflag:s4] =	ssyncset.s32 $0xFFFFF086  }
0x25: {  	[simem:s6], [sflag:s4] =	dma.local [hbm:s3], $0xF7A  }
0x26: {  	[smem:$0x3F9F] =	sst s1;
	(tag) =	ssettag s2;
	_ =	strace s9  }
0x27: {  	s1 =	sld [smem:$0x3FAF]  }
0x28: {  	s2 =	sld [smem:$0x3FB0]  }
0x29: {  	s4 =	sld [smem:$0x3FB2]  }
0x2a: {  	p0 =	seq.s32 s5, $0x0;
	s5 =	sld [smem:$0x3FB3]  }
0x2b: {  	s6 =	sld [smem:$0x3FB4]  }
0x2c: {  	s7 =	sld [smem:$0x3FB5]  }
0x2d: {  	s3 =	simm.s32 $0x108;
	s8 =	sld [smem:$0x3FB6]  }
0x2e: {  	s3 =	simm.s32 @!p0 $0x1082;
	s9 =	sld [smem:$0x3FB7]  }
0x2f: {  	lr =	sadd.s32 s0, s3;
	s0 =	sld [smem:$0x3FAE]  }
0x30: {  	s3 =	sld [smem:$0x3FB1]  }
0x31: {  	[smem:$0x3FBA] =	sst s10  }
0x32: {  	s10 =	sld [smem:$0x3FB8];
	_ =	sdelay $0x3  }
0x33: {  	p0 =	seq.s32 s10, $0x1;
	s10 =	sld [smem:$0x3FBA];
	_ =	sdelay $0x3  }
0x34: {  	[smem:$0x3FBA] =	sst s10  }
0x35: {  	s10 =	sld [smem:$0x3FB9];
	_ =	sdelay $0x3  }
0x36: {  	p1 =	seq.s32 s10, $0x1;
	s10 =	sld [smem:$0x3FBA];
	_ =	sdelay $0x3  }
0x37: {  	[smem:$0x3FBA] =	sst s10  }
0x38: {  	s10 =	sld [smem:$0x3FBB]  }
0x39: {  	_ = 	snop;
	(pc) =	sbr.ind lr, $3  }
0x3a: {  	_ = 	snop  }
0x3b: {  	_ = 	snop  }
0x3c: {  	p2 =	seq.s32 s10, $0x1;
	s10 =	sld [smem:$0x3FBA]  }
0x3d: {  	_ =	shalt  }
0x3e: {  	_ =	shalt  }
0x3f: {  	_ =	shalt  }
0x40: {  	_ =	shalt  }
0x41: {  	_ =	shalt  }
0x42: {  	_ =	shalt  }
0x43: {  	_ =	shalt  }
0x44: {  	_ =	shalt  }
0x45: {  	_ =	shalt  }
0x46: {  	_ =	shalt  }
0x47: {  	_ =	shalt  }
0x48: {  	_ =	shalt  }
0x49: {  	_ =	shalt  }
0x4a: {  	_ =	shalt  }
0x4b: {  	_ =	shalt  }
0x4c: {  	_ =	shalt  }
0x4d: {  	_ =	shalt  }
0x4e: {  	_ =	shalt  }
0x4f: {  	_ =	shalt  }
0x50: {  	_ =	shalt  }
0x51: {  	_ =	shalt  }
0x52: {  	_ =	shalt  }
0x53: {  	_ =	shalt  }
0x54: {  	_ =	shalt  }
0x55: {  	_ =	shalt  }
0x56: {  	_ =	shalt  }
0x57: {  	_ =	shalt  }
0x58: {  	_ =	shalt  }
0x59: {  	_ =	shalt  }
0x5a: {  	_ =	shalt  }
0x5b: {  	_ =	shalt  }
0x5c: {  	_ =	shalt  }
0x5d: {  	_ =	shalt  }
0x5e: {  	_ =	shalt  }
0x5f: {  	_ =	shalt  }
0x60: {  	_ =	shalt  }
0x61: {  	_ =	shalt  }
0x62: {  	_ =	shalt  }
0x63: {  	_ =	shalt  }
0x64: {  	_ =	shalt  }
0x65: {  	_ =	shalt  }
0x66: {  	_ =	shalt  }
0x67: {  	_ =	shalt  }
0x68: {  	_ =	shalt  }
0x69: {  	_ =	shalt  }
0x6a: {  	_ =	shalt  }
0x6b: {  	_ =	shalt  }
0x6c: {  	_ =	shalt  }
0x6d: {  	_ =	shalt  }
0x6e: {  	_ =	shalt  }
0x6f: {  	_ =	shalt  }
0x70: {  	_ =	shalt  }
0x71: {  	_ =	shalt  }
0x72: {  	_ =	shalt  }
0x73: {  	_ =	shalt  }
0x74: {  	_ =	shalt  }
0x75: {  	_ =	shalt  }
0x76: {  	_ =	shalt  }
0x77: {  	_ =	shalt  }
0x78: {  	_ =	shalt  }
0x79: {  	_ =	shalt  }
0x7a: {  	_ =	shalt  }
0x7b: {  	_ =	shalt  }
0x7c: {  	_ =	shalt  }
0x7d: {  	_ =	shalt  }
0x7e: {  	_ =	shalt  }
0x7f: {  	_ =	shalt  }
0x80: {  	_ =	shalt  }
0x81: {  	_ =	shalt  }
0x82: {  	_ =	shalt  }
0x83: {  	_ =	shalt  }
0x84: {  	_ =	shalt  }
0x85: {  	_ =	shalt  }
0x86: {  	_ =	shalt  }
0x87: {  	_ =	shalt  }
.Lfunc_end0:
.L_simem_size_0:
called_computation_lowered:
.L_overlay_start_0:
0x88: {  	s2 =	sld [smem:$0x3FD9]  }
0x89: {  	s3 =	sld [smem:$0x3FFE];
	_ =	sdelay $0x1  }
0x8a: {  	s1 =	srdreg.scid  }
0x8b: {  	s0 =	sand.u32 $0x1, s1  }
0x8c: {  	s17 =	sshll.u32 s0, $0xA;
	s2 =	sadd.s32 s3, s2  }
0x8d: {  	s2 =	sadd.s32 s2, s17  }
0x8e: {  	[smem:$0x3FC6] =	sst s2  }
0x8f: {  	_ = 	snop  }
0x90: {  	s2 =	sld [smem:$0x3FD0];
	(tm) =	ssettm $0x1  }
0x91: {  	s18 =	sld [smem:$0x3FFB];
	_ =	sdelay $0x3  }
0x92: {  	_ =	strace s18  }
0x93: {  	s3 =	sld [smem:$0x3FFC];
	_ =	sdelay $0x3  }
0x94: {  	_ =	strace s3  }
0x95: {  	s3 =	sld [smem:$0x3FFD];
	_ =	sdelay $0x3  }
0x96: {  	_ =	strace s3  }
0x97: {  	_ =	strace $0x8FFFFFFF  }
0x98: {  	s19 =	sld [smem:$0x3FDB];
	_ =	sdelay $0x1  }
0x99: {  	s4 =	simm.s32 $_scs_section_size  }
0x9a: {  	s5 =	simm.s32 $_size__tile_overlayer_lowered;
	s6 =	simm.s32 $_tile_overlayer_lowered  }
0x9b: {  	s22 =	simm.s32 $0x1BFF;
	s21 =	sshll.u32 s6, $0x1;
	s3 =	sadd.s32 s4, s19  }
0x9c: {  	s7 =	simm.s32 $0x0;
	s20 =	sshll.u32 s5, $0x1;
	s5 =	sadd.s32 s21, s3  }
0x9d: {  	[timem:s7], [sflag:s22] =	dma.local [hbm:s5], s20  }
0x9e: {  	_ =	swait.ge [sflag:s22], s20  }
0x9f: {  	s4 =	ssub.s32 $0x0, s20;
	[sflag:s22] =	ssyncset.done $0x0  }
0xa0: {  	[sflag:s22] =	ssyncadd.s32 s4;
	_ =	sdelay $0x1  }
0xa1: {  	s23 =	simm.s32 $0x1B8B  }
0xa2: {  	_ =	swait.ge [sflag:s23], $0x1  }
0xa3: {  	[sflag:s23] =	ssyncset.done $0x0  }
0xa4: {  	s25 =	simm.s32 $0x1B8E;
	s24 =	sld [smem:$0x3FFE];
	[sflag:s23] =	ssyncadd.s32 $0xFFFFFFFF  }
0xa5: {  	s26 =	simm.s32 $execute0_lowered;
	[smem:$0x3FD2] =	sst s25  }
0xa6: {  	s5 =	sshll.u32 s26, $0x1;
	_ =	strace $0x80000046;
	[dreg:$0x1] =	wrdreg $0xFFFFFFFF  }
0xa7: {  	s28 =	simm.s32 $_size_execute0_lowered;
	s3 =	sadd.s32 s3, s5;
	[dreg:$0x0] =	wrdreg $0x0  }
0xa8: {  	s5 =	sshll.u32 s28, $0x1;
	[dreg:$0x2] =	wrdreg s3  }
0xa9: {  	[dreg:$0x3] =	wrdreg s5  }
0xaa: {  	[dreg:$0x4] =	wrdreg $0xC0  }
0xab: {  	_ =	task [dreg:s7], $0x5FFFF  }
0xac: {  	[dreg:$0x1] =	wrdreg $0xFFFFFFFF  }
0xad: {  	[dreg:$0x0] =	wrdreg $0x60  }
0xae: {  	[dreg:$0x2] =	wrdreg s24  }
0xaf: {  	[dreg:$0x3] =	wrdreg s2  }
0xb0: {  	[dreg:$0x4] =	wrdreg $0x9  }
0xb1: {  	_ =	task.clear_ibuf [dreg:s7], $0x5FFFF;
	_ =	strace $0x90000046  }
0xb2: {  	s29 =	simm.s32 $0x9;
	_ =	strace $0x80000048  }
0xb3: {  	_ =	swait.ge [sflag:s29], $0x1  }
0xb4: {  	[sflag:s29] =	ssyncadd.s32 $0xFFFFFFFF  }
0xb5: {  	_ =	strace $0x90000048  }
0xb6: {  	_ =	sfence  }
0xb7: {  	s30 =	sld [smem:$0x0];
	_ =	sdelay $0x2  }
0xb8: {  	s31 =	sshll.u32 s1, $0xD;
	s1 =	sshrl.u32 s1, $0x2  }
0xb9: {  	s3 =	sand.u32 $0x4000, s31;
	s1 =	sadd.s32 s1, s30  }
0xba: {  	s0 =	sor.u32 s3, s0;
	s1 =	sshll.u32 s1, $0x11  }
0xbb: {  	s0 =	sor.u32 s1, s0  }
0xbc: {  	s0 =	sadd.s32 $0x8F2B, s0  }
0xbd: {  	[sflag:s0] =	ssyncadd.remote.s32 $0x1  }
0xbe: {  	_ =	sfence.sel $0xFFFF  }
0xbf: {  	[dreg:$0x0] =	wrdreg $0xFFFFFFFF;
	(pc) =	sbr.abs _section_cstart, $3  }
0xc0: {  	[dreg:$0x1] =	wrdreg $0xFFFFFFFF  }
0xc1: {  	_ =	task.clear_ibuf [dreg:s7], $0x2FFFF;
	_ =	strace $0x9FFFFFFF  }
0xc2: {  	(tm) =	ssettm $0x7FFFFFFF  }
0xc3: {  	_ =	shalt  }
tec
execute0_lowered:
.L_overlay_start_1:
0x0: {  	(tag) =	ssettag $0x1  }
0x1: {  	s9 =	rddreg [dreg:$0x0]  }
0x2: {  	s7 =	rddreg [dreg:$0x1]  }
0x3: {  	s0 =	rddreg [dreg:$0x2]  }
0x4: {  	s2 =	simm.s32 $0x0;
	s1 =	stileid.u32;
	s6 =	srdreg.scid  }
0x5: {  	s16 =	simm.s32 $0x4000;
	s17 =	simm.s32 $0x2;
	s18 =	simm.s32 $0x3  }
0x6: {  	s19 =	simm.s32 $0x0;
	[smem:$0x7FF] =	sst s2;
	s3 =	smul.u32 $0xC38, s1  }
0x7: {  	s4 =	sadd.s32 $0x600, s9;
	s5 =	sadd.s32 $0x14000, s9;
	s10 =	sand.u32 $0x1, s6  }
0x8: {  	s11 =	smul.u32 $0x61C0, s1;
	p0 =	slt.u32 s1, $0x4;
	s9 =	sadd.s32 $0x13A80, s9  }
0x9: {  	_ =	strace $0x80000047;
	s31 =	ssub.s32 $0x2, s10;
	s13 =	smul.u32 $0x30E00, s10  }
0xa: {  	s8 =	smax.u32 s3, $0x2710;
	s12 =	sshrl.u32 s31, $0x1;
	s15 =	sadd.s32 s4, s11  }
.Ltmp0:
0xb: {  	s11 =	sadd.s32 $0x100, s3;
	s30 =	sshll.u32 s8, $0x6;
	(pc) =	sbr.rel .LBB2_1-.Ltmp0, $4  }
0xc: {  	s14 =	ssub.s32 s31, s12;
	s8 =	sshll.u32 s10, $0x5;
	s6 =	sadd.s32 $0xFFF63C00, s30  }
0xd: {  	s7 =	sadd.s32 s7, s13;
	s10 =	sor.u32 $0x4000, s8;
	s6 =	sshrl.u32 s6, $0x3  }
0xe: {  	s12 =	sor.u32 $0x2000, s8;
	s13 =	smax.u32 s14, $0x1;
	s6 =	sadd.s32 s5, s6  }
0xf: {  	s14 =	simm.s32 $0x1;
	s6 =	smov.u32 @p0 s15;
	s15 =	simm.s32 $0x4  }
.LBB2_16:
0x10: {  	s19 =	sadd.s32 $0x1, s19  }
0x11: {  	p0 =	sne.s32 s19, s13  }
.Ltmp1:
0x12: {  	_ = 	snop;
	(pc) =	sbr.rel @!p0 .LBB2_17-.Ltmp1, $1  }
0x13: {  	_ =	sdelay $0x3  }
.LBB2_1:
.Ltmp2:
0x14: {  	(pc) =	sbr.rel .LBB2_2-.Ltmp2, $3  }
0x15: {  	_ =	sdelay $0x1  }
0x16: {  	[tilespmem:s2], [sflag:$0x1] =	stream.linear.gather [hbm4b:s6+s2], $0x2000, $0x38;
	[tilespmem:$0x6000] =	vst v63  }
0x17: {  	s20 =	simm.s32 $0x0  }
.LBB2_15:
0x18: {  	s20 =	sadd.s32 $0x1, s20  }
0x19: {  	p0 =	sne.s32 s20, $0xD  }
.Ltmp3:
0x1a: {  	_ = 	snop;
	(pc) =	sbr.rel @!p0 .LBB2_16-.Ltmp3, $1  }
0x1b: {  	_ =	sdelay $0x3  }
.LBB2_2:
0x1c: {  	s21 =	sshllo.u32 s20, $0x1  }
0x1d: {  	p0 =	sgt.u32 s21, $0x18  }
0x1e: {  	s22 =	sshll.u32 @!p0 s21, $0x7  }
0x1f: {  	s22 =	sadd.s32 @!p0 s3, s22  }
0x20: {  	p1 =	sgt.u32 @!p0 s22, $0x2690  }
0x21: {  	s22 =	smin.u32 @!p0 s22, $0xC2D0;
	p2 =	por !p1, p0  }
0x22: {  	s23 =	smax.u32 @!p2 s22, $0x2710  }
0x23: {  	s23 =	sshll.u32 @!p2 s23, $0x6  }
0x24: {  	p1 =	por p1, p0;
	s23 =	sadd.s32 @!p2 $0xFFF63C00, s23  }
0x25: {  	s22 =	sshll.u32 @!p1 s22, $0x3;
	s23 =	sshrl.u32 @!p2 s23, $0x3  }
0x26: {  	s22 =	sadd.s32 @!p1 s4, s22;
	s23 =	sadd.s32 @!p2 s5, s23  }
0x27: {  	s24 =	simm.s32 @!p0 $0x2000;
	s23 =	smov.u32 @p2 s22;
	s22 =	simm.s32 @!p0 $0x0  }
0x28: {  	[tilespmem:s24], [sflag:$0x2] =	stream.linear.gather @!p0 [hbm4b:s23+s22], $0x2000, $0x38;
	[tilespmem:$0x6000] =	vst v63  }
0x29: {  	s22 =	sshll.u32 s20, $0x8  }
0x2a: {  	s23 =	sadd.s32 s3, s22  }
0x2b: {  	s24 =	smax.u32 s23, $0x2710;
	p1 =	slt.u32 s23, $0x2691  }
0x2c: {  	s24 =	smov.u32 @p1 s23  }
0x2d: {  	s24 =	smin.u32 s24, $0xC2D0  }
0x2e: {  	s25 =	simm.s32 $0x4;
	_ =	swait.ge [sflag:s14], $0x2000;
	s24 =	sshll.u32 s24, $0x2  }
0x2f: {  	s26 =	sadd.s32 $0x40, s8;
	[sflag:s14] =	ssyncset.done $0x0;
	s24 =	sadd.s32 s24, s7  }
0x30: {  	s28 =	smov.u32 s8;
	[sflag:s14] =	ssyncadd.s32 $0xFFFFE000;
	s29 =	sadd.s32 $0x0, s24  }
.LBB2_3:
0x31: {  	[hbm4b:s29+s2] =	stream.linear.scatter [tilespmem:s28], [sflag:$0x4], $0x20, $0x38;
	[tilespmem:$0x6000] =	vst v63  }
0x32: {  	s29 =	smov.u32 s25;
	s28 =	smov.u32 s26;
	p1 =	sne.s32 s25, $0x1FC  }
.Ltmp4:
0x33: {  	s25 =	sadd.s32 $0x4, s25;
	(pc) =	sbr.rel @p1 .LBB2_3-.Ltmp4, $2  }
0x34: {  	_ =	sdelay $0x2  }
0x35: {  	s26 =	sadd.s32 $0x40, s26;
	s29 =	sadd.s32 s29, s24  }
0x36: {  	s23 =	sadd.s32 $0xFFFFD96F, s23  }
0x37: {  	p1 =	sgt.u32 s23, $0x7E  }
.Ltmp5:
0x38: {  	_ = 	snop;
	(pc) =	sbr.rel @p1 .LBB2_8-.Ltmp5, $4  }
0x39: {  	[hbm4b:s29+s2] =	stream.linear.scatter [tilespmem:s28], [sflag:$0x4], $0x20, $0x38;
	[tilespmem:$0x6000] =	vst v63  }
0x3a: {  	_ =	swait.ge [sflag:s15], $0x1000  }
0x3b: {  	[sflag:s15] =	ssyncset.done $0x0  }
0x3c: {  	[sflag:s15] =	ssyncadd.s32 $0xFFFFF000  }
0x3d: {  	s23 =	simm.s32 $0x0  }
0x3e: {  	[tilespmem:s16], [sflag:$0x4] =	stream.linear.gather [hbm4b:s9+s23], $0x2000, $0x38;
	[tilespmem:$0x6000] =	vst v63  }
0x3f: {  	s24 =	simm.s32 $0x4;
	_ =	swait.ge [sflag:s15], $0x2000  }
0x40: {  	s25 =	sadd.s32 $0x40, s10;
	s23 =	sadd.s32 $0x9A40, s7;
	[sflag:s15] =	ssyncset.done $0x0  }
0x41: {  	s26 =	smov.u32 s10;
	s28 =	sadd.s32 $0x0, s23;
	[sflag:s15] =	ssyncadd.s32 $0xFFFFE000  }
.LBB2_6:
0x42: {  	[hbm4b:s28+s2] =	stream.linear.scatter [tilespmem:s26], [sflag:$0x4], $0x20, $0x38;
	[tilespmem:$0x6000] =	vst v63  }
0x43: {  	s28 =	smov.u32 s24;
	s26 =	smov.u32 s25;
	p1 =	sne.s32 s24, $0x1FC  }
.Ltmp6:
0x44: {  	s24 =	sadd.s32 $0x4, s24;
	(pc) =	sbr.rel @p1 .LBB2_6-.Ltmp6, $2  }
0x45: {  	_ =	sdelay $0x2  }
0x46: {  	s25 =	sadd.s32 $0x40, s25;
	s28 =	sadd.s32 s28, s23  }
0x47: {  	[hbm4b:s28+s2] =	stream.linear.scatter [tilespmem:s26], [sflag:$0x4], $0x20, $0x38;
	[tilespmem:$0x6000] =	vst v63  }
0x48: {  	_ =	swait.ge [sflag:s15], $0x1000  }
0x49: {  	[sflag:s15] =	ssyncset.done $0x0  }
0x4a: {  	[sflag:s15] =	ssyncadd.s32 $0xFFFFF000  }
.LBB2_8:
.Ltmp7:
0x4b: {  	(pc) =	sbr.rel @p0 .LBB2_15-.Ltmp7, $1  }
0x4c: {  	_ =	sdelay $0x3  }
0x4d: {  	s22 =	sadd.s32 s22, s11  }
0x4e: {  	s23 =	smin.u32 s22, $0xC2D0;
	p0 =	sgt.u32 s22, $0x2690  }
0x4f: {  	s22 =	smax.u32 @p0 s23, $0x2710  }
0x50: {  	s22 =	sshll.u32 @p0 s22, $0x6  }
0x51: {  	s31 =	simm.s32 $0x0;
	s22 =	sadd.s32 @p0 $0xFFF63C00, s22  }
0x52: {  	s21 =	sshll.u32 s21, $0x7;
	s23 =	sshll.u32 @!p0 s23, $0x3;
	s22 =	sshrl.u32 @p0 s22, $0x3  }
0x53: {  	s21 =	sadd.s32 s3, s21;
	s23 =	sadd.s32 @!p0 s4, s23;
	s22 =	sadd.s32 @p0 s5, s22  }
0x54: {  	s23 =	smov.u32 @p0 s22;
	s22 =	smax.u32 s21, $0x2710;
	p0 =	slt.u32 s21, $0x2691  }
0x55: {  	[tilespmem:s31], [sflag:$0x1] =	stream.linear.gather [hbm4b:s23+s31], $0x2000, $0x38;
	[tilespmem:$0x6000] =	vst v63  }
0x56: {  	s22 =	smov.u32 @p0 s21  }
0x57: {  	s22 =	smin.u32 s22, $0xC2D0  }
0x58: {  	s24 =	sadd.s32 $0x40, s12;
	_ =	swait.ge [sflag:s17], $0x2000;
	s22 =	sshll.u32 s22, $0x2  }
0x59: {  	s25 =	smov.u32 s12;
	[sflag:s17] =	ssyncset.done $0x0;
	s22 =	sadd.s32 s22, s7  }
0x5a: {  	s23 =	simm.s32 $0x4;
	[sflag:s17] =	ssyncadd.s32 $0xFFFFE000;
	s26 =	sadd.s32 $0x0, s22  }
.LBB2_10:
0x5b: {  	[hbm4b:s26+s2] =	stream.linear.scatter [tilespmem:s25], [sflag:$0x4], $0x20, $0x38;
	[tilespmem:$0x6000] =	vst v63  }
0x5c: {  	s26 =	smov.u32 s23;
	s25 =	smov.u32 s24;
	p0 =	sne.s32 s23, $0x1FC  }
.Ltmp8:
0x5d: {  	s23 =	sadd.s32 $0x4, s23;
	(pc) =	sbr.rel @p0 .LBB2_10-.Ltmp8, $2  }
0x5e: {  	_ =	sdelay $0x2  }
0x5f: {  	s24 =	sadd.s32 $0x40, s24;
	s26 =	sadd.s32 s26, s22  }
0x60: {  	s21 =	sadd.s32 $0xFFFFD96F, s21  }
0x61: {  	p0 =	sgt.u32 s21, $0x7E  }
.Ltmp9:
0x62: {  	_ = 	snop;
	(pc) =	sbr.rel @p0 .LBB2_15-.Ltmp9, $4  }
0x63: {  	[hbm4b:s26+s2] =	stream.linear.scatter [tilespmem:s25], [sflag:$0x4], $0x20, $0x38;
	[tilespmem:$0x6000] =	vst v63  }
0x64: {  	_ =	swait.ge [sflag:s15], $0x1000  }
0x65: {  	[sflag:s15] =	ssyncset.done $0x0  }
0x66: {  	[sflag:s15] =	ssyncadd.s32 $0xFFFFF000  }
0x67: {  	s21 =	simm.s32 $0x0  }
0x68: {  	[tilespmem:s16], [sflag:$0x4] =	stream.linear.gather [hbm4b:s9+s21], $0x2000, $0x38;
	[tilespmem:$0x6000] =	vst v63  }
0x69: {  	s22 =	simm.s32 $0x4;
	_ =	swait.ge [sflag:s15], $0x2000  }
0x6a: {  	s23 =	sadd.s32 $0x40, s10;
	s21 =	sadd.s32 $0x9A40, s7;
	[sflag:s15] =	ssyncset.done $0x0  }
0x6b: {  	s24 =	smov.u32 s10;
	s25 =	sadd.s32 $0x0, s21;
	[sflag:s15] =	ssyncadd.s32 $0xFFFFE000  }
.LBB2_13:
0x6c: {  	[hbm4b:s25+s2] =	stream.linear.scatter [tilespmem:s24], [sflag:$0x3], $0x20, $0x38;
	[tilespmem:$0x6000] =	vst v63  }
0x6d: {  	s25 =	smov.u32 s22;
	s24 =	smov.u32 s23;
	p0 =	sne.s32 s22, $0x1FC  }
.Ltmp10:
0x6e: {  	s22 =	sadd.s32 $0x4, s22;
	(pc) =	sbr.rel @p0 .LBB2_13-.Ltmp10, $2  }
0x6f: {  	_ =	sdelay $0x2  }
0x70: {  	s23 =	sadd.s32 $0x40, s23;
	s25 =	sadd.s32 s25, s21  }
.Ltmp11:
0x71: {  	(pc) =	sbr.rel .LBB2_15-.Ltmp11, $4  }
0x72: {  	[hbm4b:s25+s2] =	stream.linear.scatter [tilespmem:s24], [sflag:$0x3], $0x20, $0x38;
	[tilespmem:$0x6000] =	vst v63  }
0x73: {  	_ =	swait.ge [sflag:s18], $0x1000  }
0x74: {  	[sflag:s18] =	ssyncset.done $0x0  }
0x75: {  	[sflag:s18] =	ssyncadd.s32 $0xFFFFF000  }
.LBB2_17:
0x76: {  	_ =	sfence.sel $0x180000  }
0x77: {  	[bflag:$0x0] =	sbarrier.arrive $0xFFFF  }
0x78: {  	p0 =	sne.s32 s1, $0x0;
	_ =	strace $0x90000047  }
0x79: {  	s0 =	sadd.s32 @!p0 $0x100000, s0;
	[bflag:$0x2] =	sbarrier.arrive $0xFFFF  }
0x7a: {  	[sflag:s0] =	ssyncadd.tile.s32 @!p0 $0x1;
	_ =	shalt  }
.Lfunc_end2:
_tile_overlayer_lowered:
.L_overlay_start_2:
0x7b: {  	(tag) =	ssettag $0x2  }
0x7c: {  	s0 =	rddreg [dreg:$0x0];
	s2 =	stileid.u32  }
0x7d: {  	s1 =	rddreg [dreg:$0x1];
	p0 =	sne.s32 s2, $0x0  }
0x7e: {  	s3 =	rddreg [dreg:$0x2];
	[bflag:$0x3] =	sbarrier.arrive $0xFFFF;
	s2 =	simm.s32 @!p0 $0x1C03  }
0x7f: {  	[timem:s3], [sflag:s2] =	dma.local @!p0 [hbm:s0], s1  }
0x80: {  	s0 =	simm.s32 @!p0 $0x3  }
0x81: {  	_ =	swait.ge @!p0 [sflag:s0], s1  }
0x82: {  	s1 =	ssub.s32 @!p0 $0x0, s1;
	[sflag:s0] =	ssyncset.done @!p0 $0x0  }
0x83: {  	[sflag:s0] =	ssyncadd.s32 @!p0 s1  }
0x84: {  	[bflag:$0x3] =	sbarrier.arrive $0xFFFF  }
0x85: {  	_ =	shalt  }

</sc_bundles>
